<compile_context>
chip_gen: v7x
topology: tpu7x:2x2x1
jax: 0.10.2.dev20260603
libtpu: 0.0.44.dev20260713+nightly
codegen_flags: <defaults>
</compile_context>

<pallas_src>
import functools

import jax
import jax.numpy as jnp
from jax import lax
from jax.experimental import pallas as pl
from jax.experimental.pallas import tpu as pltpu
from jax.experimental.pallas import tpu_sc as plsc

N = 8192
K = 8192
D = 256
TN = 2048
TK = 2048
NT = N // TN
NKC = K // TK
_BIG = 3.0e38


def _argmin_body(x_ref, w_ref, xn_ref, wn_ref, out_ref):
    x = x_ref[...]
    xn = xn_ref[...]

    iota = lax.broadcasted_iota(jnp.int32, (1, TK), 1).astype(jnp.float32)
    best = jnp.full((TN,), _BIG, jnp.float32)
    bestidx = jnp.zeros((TN,), jnp.float32)
    for k in range(NKC):
        wk = w_ref[pl.ds(k * TK, TK), :]
        w2 = wk + wk
        wn = wn_ref[0, pl.ds(k * TK, TK)]
        mm2 = lax.dot_general(x, w2, (((1,), (1,)), ((), ())),
                              preferred_element_type=jnp.float32)
        d = (xn - mm2) + wn[None, :]
        m = jnp.min(d, axis=1)
        lidx = jnp.min(jnp.where(d == m[:, None], iota, _BIG), axis=1)
        gidx = jnp.float32(k * TK) + lidx
        upd = m < best
        best = jnp.where(upd, m, best)
        bestidx = jnp.where(upd, gidx, bestidx)

    out_ref[...] = bestidx.astype(jnp.int32).reshape(1, 1, TN)


def _argmin_call(flat, weight, xnorm, wnorm, interpret=False):
    return pl.pallas_call(
        _argmin_body,
        grid=(NT,),
        in_specs=[
            pl.BlockSpec((TN, D), lambda i: (i, 0)),
            pl.BlockSpec((K, D), lambda i: (0, 0)),
            pl.BlockSpec((TN, 1), lambda i: (i, 0)),
            pl.BlockSpec((1, K), lambda i: (0, 0)),
        ],
        out_specs=pl.BlockSpec((1, 1, TN), lambda i: (i, 0, 0)),
        out_shape=jax.ShapeDtypeStruct((NT, 1, TN), jnp.int32),
        interpret=interpret,
    )(flat, weight, xnorm, wnorm)


@functools.cache
def _sc_gather_kernel():
    info = plsc.get_sparse_core_info()
    nw = info.num_cores * info.num_subcores
    bpw = N // nw
    mesh = plsc.VectorSubcoreMesh(core_axis_name="c", subcore_axis_name="s")

    @functools.partial(
        pl.kernel, mesh=mesh,
        out_type=jax.ShapeDtypeStruct((N, D), jnp.float32),
        scratch_types=[
            pltpu.VMEM((bpw,), jnp.int32),
            pltpu.VMEM((bpw, D), jnp.float32),
            pltpu.SemaphoreType.DMA,
        ],
    )
    def _sc_gather(table_hbm, idx_hbm, out_hbm, idx_v, rows_v, sem):
        wid = lax.axis_index("s") * info.num_cores + lax.axis_index("c")
        base = wid * bpw
        pltpu.sync_copy(idx_hbm.at[pl.ds(base, bpw)], idx_v)
        pltpu.async_copy(table_hbm.at[idx_v], rows_v, sem).wait()
        pltpu.sync_copy(rows_v, out_hbm.at[pl.ds(base, bpw)])

    return _sc_gather


def kernel(z, weight):
    b, c, h, w = z.shape
    flat = jnp.transpose(z, (0, 2, 3, 1)).reshape(-1, c)
    xnorm = jnp.sum(flat ** 2, axis=1, keepdims=True)
    wnorm = jnp.sum(weight ** 2, axis=1)[None, :]
    idx = _argmin_call(flat, weight, xnorm, wnorm).reshape(-1)
    rows = _sc_gather_kernel()(weight, idx)
    quantized = jnp.transpose(rows.reshape(b, h, w, c), (0, 3, 1, 2))
    straight_through = quantized
    encoding_indices = idx.reshape(b, h, w)
    return (quantized, straight_through, encoding_indices)

# --- scband reference (transcript-rebuilt; emitter-appended) ---
"""Pipeline reference for scband-quantize-2156073583342 (READ-ONLY COPY).

The authoritative reference and input builder live on the scoring server;
editing this copy changes nothing except your own understanding.
"""

import jax, jax.numpy as jnp
import numpy as np

SIZE = 8192
CODE_DIM = 256

def setup_inputs(seed: int = 0) -> dict:
    key = jax.random.key(seed)
    k1, k2 = jax.random.split(key)
    z = jax.random.normal(k1, (8, CODE_DIM, 32, 32), dtype=jnp.float32)
    weight = jax.random.uniform(k2, (SIZE, CODE_DIM), minval=-1.0 / SIZE, maxval=1.0 / SIZE, dtype=jnp.float32)
    return {"z": z, "weight": weight}

def reference(z, weight):
    b, c, h, w = z.shape
    flat_inputs = jnp.transpose(z, (0, 2, 3, 1)).reshape(-1, c)
    # squared L2 distances: ||x - w||^2 = ||x||^2 - 2 x.w + ||w||^2 (same math as
    # ((flat.repeat - weight)**2).sum(-1) in the torch code, without materializing N*K*d)
    distances = (
        jnp.sum(flat_inputs ** 2, axis=1, keepdims=True)
        - 2.0 * (flat_inputs @ weight.T)
        + jnp.sum(weight ** 2, axis=1)[None, :]
    )
    encoding_indices = jnp.argmin(distances, axis=-1).reshape(b, h, w)
    quantized = jnp.transpose(jnp.take(weight, encoding_indices, axis=0), (0, 3, 1, 2))
    straight_through = jax.lax.stop_gradient(quantized - z) + z
    return (quantized, straight_through, encoding_indices)

if __name__ == "__main__":
    import jax
    _d = setup_inputs()
    print(jax.jit(kernel)(*tuple(_d.values())))

</pallas_src>

<mosaic_0001>
#map = affine_map<(d0, d1) -> (0, 0)>
#map1 = affine_map<(d0, d1) -> (0)>
module attributes {stable_mosaic.version = 14 : i64} {
  func.func @_sc_gather(%arg0: i32, %arg1: i32, %arg2: memref<8192x256xf32, #tpu.memory_space<hbm>>, %arg3: memref<8192xi32, #tpu.memory_space<hbm>>, %arg4: memref<8192x256xf32, #tpu.memory_space<hbm>>, %arg5: memref<256xi32, #tpu.memory_space<vmem>>, %arg6: memref<256x256xf32, #tpu.memory_space<vmem>>, %arg7: memref<!tpu.dma_semaphore, #tpu.memory_space<semaphore_mem>>) attributes {dimension_semantics = [#tpu.dimension_semantics<core_parallel>, #tpu.dimension_semantics<subcore_parallel>], iteration_bounds = array<i64: 2, 16>, scalar_prefetch = 0 : i64, scratch_operands = 3 : i64, tpu.core_type = #tpu.core_type<sc_vector_subcore>, window_params = [{transform_indices = #map}, {transform_indices = #map1}, {transform_indices = #map}]} {
    %mul3A = arith.constant 2 : i32
    %mul3A_0 = arith.muli %arg1, %mul3A : i32
    %add3A = arith.addi %mul3A_0, %arg0 : i32
    %mul3A_1 = arith.constant 256 : i32
    %mul3A_2 = arith.muli %add3A, %mul3A_1 : i32
    "tpu.region"() ({
      %run_scoped3A = tpu.sem_alloc : memref<!tpu.dma_semaphore, #tpu.memory_space<semaphore_mem>>
      %dma_start3A_7 = tpu.memref_slice %arg3[%mul3A_2] : memref<8192xi32, #tpu.memory_space<hbm>> -> memref<256xi32, #tpu.memory_space<hbm>>
      %dma_start3A_8 = tpu.memref_slice %arg3[%mul3A_2] : memref<8192xi32, #tpu.memory_space<hbm>> -> memref<256xi32, #tpu.memory_space<hbm>>
      tpu.enqueue_dma source(%dma_start3A_8 : memref<256xi32, #tpu.memory_space<hbm>>) target(%arg5 : memref<256xi32, #tpu.memory_space<vmem>>) target_semaphore(%run_scoped3A : memref<!tpu.dma_semaphore, #tpu.memory_space<semaphore_mem>>)
      %dma_wait3A_9 = tpu.memref_slice %arg3[%mul3A_2] : memref<8192xi32, #tpu.memory_space<hbm>> -> memref<256xi32, #tpu.memory_space<hbm>>
      %dma_wait3A_10 = tpu.memref_slice %arg3[%mul3A_2] : memref<8192xi32, #tpu.memory_space<hbm>> -> memref<256xi32, #tpu.memory_space<hbm>>
      tpu.wait_dma2 semaphore(%run_scoped3A : memref<!tpu.dma_semaphore, #tpu.memory_space<semaphore_mem>>) src(%dma_wait3A_10 : memref<256xi32, #tpu.memory_space<hbm>>) dst(%arg5 : memref<256xi32, #tpu.memory_space<vmem>>)
      tpu.yield
    }) : () -> ()
    %dma_start3A = arith.constant 0 : i32
    %dma_start3A_3 = arith.constant 0 : i32
    %dma_start3A_4 = tpu.memref_slice %arg2[%dma_start3A, %dma_start3A_3] : memref<8192x256xf32, #tpu.memory_space<hbm>> -> memref<8192x256xf32, #tpu.memory_space<hbm>>
    tpu.enqueue_indirect_dma source(%dma_start3A_4 : memref<8192x256xf32, #tpu.memory_space<hbm>>) target(%arg6 : memref<256x256xf32, #tpu.memory_space<vmem>>) offsets(%arg5 : memref<256xi32, #tpu.memory_space<vmem>>) semaphore(%arg7 : memref<!tpu.dma_semaphore, #tpu.memory_space<semaphore_mem>>)
    %dma_wait3A = arith.constant 0 : i32
    %dma_wait3A_5 = arith.constant 0 : i32
    %dma_wait3A_6 = tpu.memref_slice %arg2[%dma_wait3A, %dma_wait3A_5] : memref<8192x256xf32, #tpu.memory_space<hbm>> -> memref<8192x256xf32, #tpu.memory_space<hbm>>
    tpu.wait_indirect_dma semaphore(%arg7 : memref<!tpu.dma_semaphore, #tpu.memory_space<semaphore_mem>>) src(%dma_wait3A_6 : memref<8192x256xf32, #tpu.memory_space<hbm>>) dst(%arg6 : memref<256x256xf32, #tpu.memory_space<vmem>>)
    "tpu.region"() ({
      %run_scoped3A = tpu.sem_alloc : memref<!tpu.dma_semaphore, #tpu.memory_space<semaphore_mem>>
      %dma_start3A_7 = arith.constant 0 : i32
      %dma_start3A_8 = tpu.memref_slice %arg4[%mul3A_2, %dma_start3A_7] : memref<8192x256xf32, #tpu.memory_space<hbm>> -> memref<256x256xf32, #tpu.memory_space<hbm>>
      %dma_start3A_9 = arith.constant 0 : i32
      %dma_start3A_10 = tpu.memref_slice %arg4[%mul3A_2, %dma_start3A_9] : memref<8192x256xf32, #tpu.memory_space<hbm>> -> memref<256x256xf32, #tpu.memory_space<hbm>>
      tpu.enqueue_dma source(%arg6 : memref<256x256xf32, #tpu.memory_space<vmem>>) target(%dma_start3A_10 : memref<256x256xf32, #tpu.memory_space<hbm>>) target_semaphore(%run_scoped3A : memref<!tpu.dma_semaphore, #tpu.memory_space<semaphore_mem>>)
      %dma_wait3A_11 = arith.constant 0 : i32
      %dma_wait3A_12 = tpu.memref_slice %arg4[%mul3A_2, %dma_wait3A_11] : memref<8192x256xf32, #tpu.memory_space<hbm>> -> memref<256x256xf32, #tpu.memory_space<hbm>>
      %dma_wait3A_13 = arith.constant 0 : i32
      %dma_wait3A_14 = tpu.memref_slice %arg4[%mul3A_2, %dma_wait3A_13] : memref<8192x256xf32, #tpu.memory_space<hbm>> -> memref<256x256xf32, #tpu.memory_space<hbm>>
      tpu.wait_dma2 semaphore(%run_scoped3A : memref<!tpu.dma_semaphore, #tpu.memory_space<semaphore_mem>>) src(%arg6 : memref<256x256xf32, #tpu.memory_space<vmem>>) dst(%dma_wait3A_14 : memref<256x256xf32, #tpu.memory_space<hbm>>)
      tpu.yield
    }) : () -> ()
    return
  }
}

module attributes {stable_mosaic.version = 14 : i64} {
  func.func @_argmin_body(%arg0: i32, %arg1: memref<2048x256xf32, #tpu.memory_space<vmem>>, %arg2: memref<8192x256xf32, #tpu.memory_space<vmem>>, %arg3: memref<2048x1xf32, #tpu.memory_space<vmem>>, %arg4: memref<1x8192xf32, #tpu.memory_space<vmem>>, %arg5: memref<1x1x2048xi32, #tpu.memory_space<vmem>>) attributes {dimension_semantics = [#tpu.dimension_semantics<arbitrary>], iteration_bounds = array<i64: 4>, scalar_prefetch = 0 : i64, scratch_operands = 0 : i64, tpu.core_type = #tpu.core_type<tc>, window_params = [{transform_indices = @transform_0, window_bounds = array<i64: 2048, 256>}, {pipeline_mode = #tpu.pipeline_mode<synchronous>, transform_indices = @transform_1, window_bounds = array<i64: 8192, 256>}, {transform_indices = @transform_2, window_bounds = array<i64: 2048, 1>}, {pipeline_mode = #tpu.pipeline_mode<synchronous>, transform_indices = @transform_3, window_bounds = array<i64: 1, 8192>}, {transform_indices = @transform_4, window_bounds = array<i64: 1, 1, 2048>}]} {
    %get3A = arith.constant 0 : index
    %get3A_0 = arith.constant 0 : index
    %get3A_1 = vector.load %arg1[%get3A, %get3A_0] : memref<2048x256xf32, #tpu.memory_space<vmem>>, vector<2048x256xf32>
    %get3A_2 = arith.constant 0 : index
    %get3A_3 = arith.constant 0 : index
    %get3A_4 = vector.load %arg3[%get3A_2, %get3A_3] : memref<2048x1xf32, #tpu.memory_space<vmem>>, vector<2048x1xf32>
    %iota3A = tpu.iota {dimensions = array<i32: 1>} : vector<1x2048xi32>
    %convert_element_type3A = arith.sitofp %iota3A : vector<1x2048xi32> to vector<1x2048xf32>
    %broadcast_in_dim3A = arith.constant 3.000000e+38 : f32
    %broadcast_in_dim3A_5 = vector.broadcast %broadcast_in_dim3A : f32 to vector<2048xf32>
    %broadcast_in_dim3A_6 = arith.constant 0.000000e+00 : f32
    %broadcast_in_dim3A_7 = vector.broadcast %broadcast_in_dim3A_6 : f32 to vector<2048xf32>
    %get3A_8 = arith.constant 0 : index
    %get3A_9 = arith.constant 0 : index
    %get3A_10 = vector.load %arg2[%get3A_8, %get3A_9] : memref<8192x256xf32, #tpu.memory_space<vmem>>, vector<2048x256xf32>
    %add3A = arith.addf %get3A_10, %get3A_10 : vector<2048x256xf32>
    %get3A_11 = arith.constant 0 : index
    %get3A_12 = arith.constant 0 : index
    %get3A_13 = vector.load %arg4[%get3A_11, %get3A_12] : memref<1x8192xf32, #tpu.memory_space<vmem>>, vector<1x2048xf32>
    %get3A_14 = vector.shape_cast %get3A_13 : vector<1x2048xf32> to vector<2048xf32>
    %dot_general3A = arith.constant dense<0.000000e+00> : vector<2048x2048xf32>
    %dot_general3A_15 = tpu.matmul %get3A_1, %add3A, %dot_general3A {dimension_numbers = #tpu.dot_dimension_numbers<[1], [1], [0], [0], [0, 0, 1, 0], [], []>, transpose_lhs_hint = false} : vector<2048x256xf32>, vector<2048x256xf32>, vector<2048x2048xf32> -> vector<2048x2048xf32>
    %sub3A = vector.broadcast %get3A_4 : vector<2048x1xf32> to vector<2048x2048xf32>
    %sub3A_16 = arith.subf %sub3A, %dot_general3A_15 : vector<2048x2048xf32>
    %broadcast_in_dim3A_17 = vector.shape_cast %get3A_14 : vector<2048xf32> to vector<1x2048xf32>
    %add3A_18 = vector.broadcast %broadcast_in_dim3A_17 : vector<1x2048xf32> to vector<2048x2048xf32>
    %add3A_19 = arith.addf %sub3A_16, %add3A_18 : vector<2048x2048xf32>
    %reduce_min3A = arith.constant dense<0x7F800000> : vector<2048xf32>
    %reduce_min3A_20 = vector.multi_reduction <minimumf>, %add3A_19, %reduce_min3A [1] : vector<2048x2048xf32> to vector<2048xf32>
    %broadcast_in_dim3A_21 = vector.shape_cast %reduce_min3A_20 : vector<2048xf32> to vector<2048x1xf32>
    %eq3A = vector.broadcast %broadcast_in_dim3A_21 : vector<2048x1xf32> to vector<2048x2048xf32>
    %eq3A_22 = arith.cmpf oeq, %add3A_19, %eq3A : vector<2048x2048xf32>
    %jit3A = arith.constant 3.000000e+38 : f32
    %broadcast_in_dim3A_23 = vector.shape_cast %convert_element_type3A : vector<1x2048xf32> to vector<1x2048xf32>
    %broadcast_in_dim3A_24 = vector.broadcast %broadcast_in_dim3A_23 : vector<1x2048xf32> to vector<2048x2048xf32>
    %broadcast_in_dim3A_25 = vector.broadcast %jit3A : f32 to vector<2048x2048xf32>
    %select_n3A = arith.select %eq3A_22, %broadcast_in_dim3A_24, %broadcast_in_dim3A_25 : vector<2048x2048xi1>, vector<2048x2048xf32>
    %reduce_min3A_26 = arith.constant dense<0x7F800000> : vector<2048xf32>
    %reduce_min3A_27 = vector.multi_reduction <minimumf>, %select_n3A, %reduce_min3A_26 [1] : vector<2048x2048xf32> to vector<2048xf32>
    %add3A_28 = arith.constant 0.000000e+00 : f32
    %add3A_29 = vector.broadcast %add3A_28 : f32 to vector<2048xf32>
    %add3A_30 = arith.addf %add3A_29, %reduce_min3A_27 : vector<2048xf32>
    %lt3A = arith.cmpf olt, %reduce_min3A_20, %broadcast_in_dim3A_5 : vector<2048xf32>
    %select_n3A_31 = arith.select %lt3A, %reduce_min3A_20, %broadcast_in_dim3A_5 : vector<2048xi1>, vector<2048xf32>
    %select_n3A_32 = arith.select %lt3A, %add3A_30, %broadcast_in_dim3A_7 : vector<2048xi1>, vector<2048xf32>
    %get3A_33 = arith.constant 2048 : index
    %get3A_34 = arith.constant 0 : index
    %get3A_35 = vector.load %arg2[%get3A_33, %get3A_34] : memref<8192x256xf32, #tpu.memory_space<vmem>>, vector<2048x256xf32>
    %add3A_36 = arith.addf %get3A_35, %get3A_35 : vector<2048x256xf32>
    %get3A_37 = arith.constant 0 : index
    %get3A_38 = arith.constant 2048 : index
    %get3A_39 = vector.load %arg4[%get3A_37, %get3A_38] : memref<1x8192xf32, #tpu.memory_space<vmem>>, vector<1x2048xf32>
    %get3A_40 = vector.shape_cast %get3A_39 : vector<1x2048xf32> to vector<2048xf32>
    %dot_general3A_41 = arith.constant dense<0.000000e+00> : vector<2048x2048xf32>
    %dot_general3A_42 = tpu.matmul %get3A_1, %add3A_36, %dot_general3A_41 {dimension_numbers = #tpu.dot_dimension_numbers<[1], [1], [0], [0], [0, 0, 1, 0], [], []>, transpose_lhs_hint = false} : vector<2048x256xf32>, vector<2048x256xf32>, vector<2048x2048xf32> -> vector<2048x2048xf32>
    %sub3A_43 = vector.broadcast %get3A_4 : vector<2048x1xf32> to vector<2048x2048xf32>
    %sub3A_44 = arith.subf %sub3A_43, %dot_general3A_42 : vector<2048x2048xf32>
    %broadcast_in_dim3A_45 = vector.shape_cast %get3A_40 : vector<2048xf32> to vector<1x2048xf32>
    %add3A_46 = vector.broadcast %broadcast_in_dim3A_45 : vector<1x2048xf32> to vector<2048x2048xf32>
    %add3A_47 = arith.addf %sub3A_44, %add3A_46 : vector<2048x2048xf32>
    %reduce_min3A_48 = arith.constant dense<0x7F800000> : vector<2048xf32>
    %reduce_min3A_49 = vector.multi_reduction <minimumf>, %add3A_47, %reduce_min3A_48 [1] : vector<2048x2048xf32> to vector<2048xf32>
    %broadcast_in_dim3A_50 = vector.shape_cast %reduce_min3A_49 : vector<2048xf32> to vector<2048x1xf32>
    %eq3A_51 = vector.broadcast %broadcast_in_dim3A_50 : vector<2048x1xf32> to vector<2048x2048xf32>
    %eq3A_52 = arith.cmpf oeq, %add3A_47, %eq3A_51 : vector<2048x2048xf32>
    %jit3A_53 = arith.constant 3.000000e+38 : f32
    %broadcast_in_dim3A_54 = vector.shape_cast %convert_element_type3A : vector<1x2048xf32> to vector<1x2048xf32>
    %broadcast_in_dim3A_55 = vector.broadcast %broadcast_in_dim3A_54 : vector<1x2048xf32> to vector<2048x2048xf32>
    %broadcast_in_dim3A_56 = vector.broadcast %jit3A_53 : f32 to vector<2048x2048xf32>
    %select_n3A_57 = arith.select %eq3A_52, %broadcast_in_dim3A_55, %broadcast_in_dim3A_56 : vector<2048x2048xi1>, vector<2048x2048xf32>
    %reduce_min3A_58 = arith.constant dense<0x7F800000> : vector<2048xf32>
    %reduce_min3A_59 = vector.multi_reduction <minimumf>, %select_n3A_57, %reduce_min3A_58 [1] : vector<2048x2048xf32> to vector<2048xf32>
    %add3A_60 = arith.constant 2.048000e+03 : f32
    %add3A_61 = vector.broadcast %add3A_60 : f32 to vector<2048xf32>
    %add3A_62 = arith.addf %add3A_61, %reduce_min3A_59 : vector<2048xf32>
    %lt3A_63 = arith.cmpf olt, %reduce_min3A_49, %select_n3A_31 : vector<2048xf32>
    %select_n3A_64 = arith.select %lt3A_63, %reduce_min3A_49, %select_n3A_31 : vector<2048xi1>, vector<2048xf32>
    %select_n3A_65 = arith.select %lt3A_63, %add3A_62, %select_n3A_32 : vector<2048xi1>, vector<2048xf32>
    %get3A_66 = arith.constant 4096 : index
    %get3A_67 = arith.constant 0 : index
    %get3A_68 = vector.load %arg2[%get3A_66, %get3A_67] : memref<8192x256xf32, #tpu.memory_space<vmem>>, vector<2048x256xf32>
    %add3A_69 = arith.addf %get3A_68, %get3A_68 : vector<2048x256xf32>
    %get3A_70 = arith.constant 0 : index
    %get3A_71 = arith.constant 4096 : index
    %get3A_72 = vector.load %arg4[%get3A_70, %get3A_71] : memref<1x8192xf32, #tpu.memory_space<vmem>>, vector<1x2048xf32>
    %get3A_73 = vector.shape_cast %get3A_72 : vector<1x2048xf32> to vector<2048xf32>
    %dot_general3A_74 = arith.constant dense<0.000000e+00> : vector<2048x2048xf32>
    %dot_general3A_75 = tpu.matmul %get3A_1, %add3A_69, %dot_general3A_74 {dimension_numbers = #tpu.dot_dimension_numbers<[1], [1], [0], [0], [0, 0, 1, 0], [], []>, transpose_lhs_hint = false} : vector<2048x256xf32>, vector<2048x256xf32>, vector<2048x2048xf32> -> vector<2048x2048xf32>
    %sub3A_76 = vector.broadcast %get3A_4 : vector<2048x1xf32> to vector<2048x2048xf32>
    %sub3A_77 = arith.subf %sub3A_76, %dot_general3A_75 : vector<2048x2048xf32>
    %broadcast_in_dim3A_78 = vector.shape_cast %get3A_73 : vector<2048xf32> to vector<1x2048xf32>
    %add3A_79 = vector.broadcast %broadcast_in_dim3A_78 : vector<1x2048xf32> to vector<2048x2048xf32>
    %add3A_80 = arith.addf %sub3A_77, %add3A_79 : vector<2048x2048xf32>
    %reduce_min3A_81 = arith.constant dense<0x7F800000> : vector<2048xf32>
    %reduce_min3A_82 = vector.multi_reduction <minimumf>, %add3A_80, %reduce_min3A_81 [1] : vector<2048x2048xf32> to vector<2048xf32>
    %broadcast_in_dim3A_83 = vector.shape_cast %reduce_min3A_82 : vector<2048xf32> to vector<2048x1xf32>
    %eq3A_84 = vector.broadcast %broadcast_in_dim3A_83 : vector<2048x1xf32> to vector<2048x2048xf32>
    %eq3A_85 = arith.cmpf oeq, %add3A_80, %eq3A_84 : vector<2048x2048xf32>
    %jit3A_86 = arith.constant 3.000000e+38 : f32
    %broadcast_in_dim3A_87 = vector.shape_cast %convert_element_type3A : vector<1x2048xf32> to vector<1x2048xf32>
    %broadcast_in_dim3A_88 = vector.broadcast %broadcast_in_dim3A_87 : vector<1x2048xf32> to vector<2048x2048xf32>
    %broadcast_in_dim3A_89 = vector.broadcast %jit3A_86 : f32 to vector<2048x2048xf32>
    %select_n3A_90 = arith.select %eq3A_85, %broadcast_in_dim3A_88, %broadcast_in_dim3A_89 : vector<2048x2048xi1>, vector<2048x2048xf32>
    %reduce_min3A_91 = arith.constant dense<0x7F800000> : vector<2048xf32>
    %reduce_min3A_92 = vector.multi_reduction <minimumf>, %select_n3A_90, %reduce_min3A_91 [1] : vector<2048x2048xf32> to vector<2048xf32>
    %add3A_93 = arith.constant 4.096000e+03 : f32
    %add3A_94 = vector.broadcast %add3A_93 : f32 to vector<2048xf32>
    %add3A_95 = arith.addf %add3A_94, %reduce_min3A_92 : vector<2048xf32>
    %lt3A_96 = arith.cmpf olt, %reduce_min3A_82, %select_n3A_64 : vector<2048xf32>
    %select_n3A_97 = arith.select %lt3A_96, %reduce_min3A_82, %select_n3A_64 : vector<2048xi1>, vector<2048xf32>
    %select_n3A_98 = arith.select %lt3A_96, %add3A_95, %select_n3A_65 : vector<2048xi1>, vector<2048xf32>
    %get3A_99 = arith.constant 6144 : index
    %get3A_100 = arith.constant 0 : index
    %get3A_101 = vector.load %arg2[%get3A_99, %get3A_100] : memref<8192x256xf32, #tpu.memory_space<vmem>>, vector<2048x256xf32>
    %add3A_102 = arith.addf %get3A_101, %get3A_101 : vector<2048x256xf32>
    %get3A_103 = arith.constant 0 : index
    %get3A_104 = arith.constant 6144 : index
    %get3A_105 = vector.load %arg4[%get3A_103, %get3A_104] : memref<1x8192xf32, #tpu.memory_space<vmem>>, vector<1x2048xf32>
    %get3A_106 = vector.shape_cast %get3A_105 : vector<1x2048xf32> to vector<2048xf32>
    %dot_general3A_107 = arith.constant dense<0.000000e+00> : vector<2048x2048xf32>
    %dot_general3A_108 = tpu.matmul %get3A_1, %add3A_102, %dot_general3A_107 {dimension_numbers = #tpu.dot_dimension_numbers<[1], [1], [0], [0], [0, 0, 1, 0], [], []>, transpose_lhs_hint = false} : vector<2048x256xf32>, vector<2048x256xf32>, vector<2048x2048xf32> -> vector<2048x2048xf32>
    %sub3A_109 = vector.broadcast %get3A_4 : vector<2048x1xf32> to vector<2048x2048xf32>
    %sub3A_110 = arith.subf %sub3A_109, %dot_general3A_108 : vector<2048x2048xf32>
    %broadcast_in_dim3A_111 = vector.shape_cast %get3A_106 : vector<2048xf32> to vector<1x2048xf32>
    %add3A_112 = vector.broadcast %broadcast_in_dim3A_111 : vector<1x2048xf32> to vector<2048x2048xf32>
    %add3A_113 = arith.addf %sub3A_110, %add3A_112 : vector<2048x2048xf32>
    %reduce_min3A_114 = arith.constant dense<0x7F800000> : vector<2048xf32>
    %reduce_min3A_115 = vector.multi_reduction <minimumf>, %add3A_113, %reduce_min3A_114 [1] : vector<2048x2048xf32> to vector<2048xf32>
    %broadcast_in_dim3A_116 = vector.shape_cast %reduce_min3A_115 : vector<2048xf32> to vector<2048x1xf32>
    %eq3A_117 = vector.broadcast %broadcast_in_dim3A_116 : vector<2048x1xf32> to vector<2048x2048xf32>
    %eq3A_118 = arith.cmpf oeq, %add3A_113, %eq3A_117 : vector<2048x2048xf32>
    %jit3A_119 = arith.constant 3.000000e+38 : f32
    %broadcast_in_dim3A_120 = vector.shape_cast %convert_element_type3A : vector<1x2048xf32> to vector<1x2048xf32>
    %broadcast_in_dim3A_121 = vector.broadcast %broadcast_in_dim3A_120 : vector<1x2048xf32> to vector<2048x2048xf32>
    %broadcast_in_dim3A_122 = vector.broadcast %jit3A_119 : f32 to vector<2048x2048xf32>
    %select_n3A_123 = arith.select %eq3A_118, %broadcast_in_dim3A_121, %broadcast_in_dim3A_122 : vector<2048x2048xi1>, vector<2048x2048xf32>
    %reduce_min3A_124 = arith.constant dense<0x7F800000> : vector<2048xf32>
    %reduce_min3A_125 = vector.multi_reduction <minimumf>, %select_n3A_123, %reduce_min3A_124 [1] : vector<2048x2048xf32> to vector<2048xf32>
    %add3A_126 = arith.constant 6.144000e+03 : f32
    %add3A_127 = vector.broadcast %add3A_126 : f32 to vector<2048xf32>
    %add3A_128 = arith.addf %add3A_127, %reduce_min3A_125 : vector<2048xf32>
    %lt3A_129 = arith.cmpf olt, %reduce_min3A_115, %select_n3A_97 : vector<2048xf32>
    %select_n3A_130 = arith.select %lt3A_129, %add3A_128, %select_n3A_98 : vector<2048xi1>, vector<2048xf32>
    %convert_element_type3A_131 = arith.fptosi %select_n3A_130 : vector<2048xf32> to vector<2048xi32>
    %reshape3A = vector.shape_cast %convert_element_type3A_131 : vector<2048xi32> to vector<1x1x2048xi32>
    %swap3A = arith.constant 0 : index
    %swap3A_132 = arith.constant 0 : index
    %swap3A_133 = arith.constant 0 : index
    %swap3A_134 = vector.load %arg5[%swap3A, %swap3A_132, %swap3A_133] : memref<1x1x2048xi32, #tpu.memory_space<vmem>>, vector<1x1x2048xi32>
    tpu.vector_store %arg5[%swap3A, %swap3A_132, %swap3A_133], %reshape3A {strides = array<i32>} : memref<1x1x2048xi32, #tpu.memory_space<vmem>>, vector<1x1x2048xi32>,
    return
  }
  func.func @transform_0(%arg0: i32) -> (i32, i32) {
    %c0_i32 = arith.constant 0 : i32
    %c0_i32_0 = arith.constant 0 : i32
    return %arg0, %c0_i32 : i32, i32
  }
  func.func @transform_1(%arg0: i32) -> (i32, i32) {
    %c0_i32 = arith.constant 0 : i32
    %c0_i32_0 = arith.constant 0 : i32
    %c0_i32_1 = arith.constant 0 : i32
    return %c0_i32, %c0_i32_0 : i32, i32
  }
  func.func @transform_2(%arg0: i32) -> (i32, i32) {
    %c0_i32 = arith.constant 0 : i32
    %c0_i32_0 = arith.constant 0 : i32
    return %arg0, %c0_i32 : i32, i32
  }
  func.func @transform_3(%arg0: i32) -> (i32, i32) {
    %c0_i32 = arith.constant 0 : i32
    %c0_i32_0 = arith.constant 0 : i32
    %c0_i32_1 = arith.constant 0 : i32
    return %c0_i32, %c0_i32_0 : i32, i32
  }
  func.func @transform_4(%arg0: i32) -> (i32, i32, i32) {
    %c0_i32 = arith.constant 0 : i32
    %c0_i32_0 = arith.constant 0 : i32
    %c0_i32_1 = arith.constant 0 : i32
    return %arg0, %c0_i32, %c0_i32_0 : i32, i32, i32
  }
}

</mosaic_0001>

<sc_bundles>
// kernel: kernel.4.cloned.1.call-start
scs
__scs_entry_jumppad:
0x0: {  	(pc) =	sbr.rel $0x88, $3  }
0x1: {  	(tag) =	ssettag $0x0;
	lr =	simm.s32 $0x1  }
0x2: {  	[smem:$0x3F9F] =	sst lr;
	_ =	strace $0xD0000000  }
0x3: {  	_ = 	snop  }
0x4: {  	_ = 	snop  }
0x5: {  	_ = 	snop  }
0x6: {  	_ = 	snop  }
0x7: {  	_ = 	snop  }
__scs_overlays_trampoline_lowered:
0x8: {  	[smem:$0x3FAE] =	sst s0  }
0x9: {  	[smem:$0x3FAF] =	sst s1  }
0xa: {  	[smem:$0x3FB0] =	sst s2  }
0xb: {  	[smem:$0x3FB1] =	sst s3  }
0xc: {  	[smem:$0x3FB2] =	sst s4  }
0xd: {  	[smem:$0x3FB3] =	sst s5  }
0xe: {  	[smem:$0x3FB4] =	sst s6  }
0xf: {  	[smem:$0x3FB5] =	sst s7  }
0x10: {  	[smem:$0x3FB6] =	sst s8  }
0x11: {  	[smem:$0x3FB7] =	sst s9;
	s0 =	simm.s32 @!p0 $0x0  }
0x12: {  	s1 =	sld [smem:$0x3F9D];
	s0 =	simm.s32 @p0 $0x1  }
0x13: {  	[smem:$0x3FB8] =	sst s0;
	s0 =	simm.s32 @!p1 $0x0  }
0x14: {  	s2 =	sld [smem:$0x3F9C];
	s0 =	simm.s32 @p1 $0x1  }
0x15: {  	[smem:$0x3FB9] =	sst s0;
	s0 =	simm.s32 @!p2 $0x0  }
0x16: {  	s3 =	sld [smem:$0x3FDB];
	s0 =	simm.s32 @p2 $0x1  }
0x17: {  	s4 =	simm.s32 $0x1BF5;
	[smem:$0x3FBB] =	sst s0  }
0x18: {  	s0 =	sld [smem:$0x3F9E];
	_ =	swait.ge [sflag:s4], $0x0  }
0x19: {  	s7 =	sld [smem:$0x3F9F]  }
0x1a: {  	s8 =	sadd.s32 $0xFFFFE003, lr  }
0x1b: {  	s9 =	sadd.s32 $0xFFFFFEF7, lr;
	s5 =	simm.s32 $0xFFFFFFFF;
	p2 =	slt.u32 s8, $0xFFFFF086  }
0x1c: {  	p1 =	slt.u32 s9, $0xF7A;
	s5 =	simm.s32 @!p2 $0x0  }
0x1d: {  	s5 =	simm.s32 @p1 $0x1;
	p0 =	seq.s32 s7, s2  }
0x1e: {  	s7 =	smul.u32 @!p0 $0xF7A, s2;
	p2 =	seq.s32 @!p0 s5, $0x0  }
0x1f: {  	s9 =	smul.u32 $0xF7A, s1;
	s8 =	simm.s32 @!p0 $0x1BF5;
	p2 =	por !p2, p0  }
0x20: {  	[sflag:s8] =	ssyncset.s32 @!p0 $0xFFFFF086;
	s6 =	sadd.s32 @!p0 s3, s7;
	s7 =	simm.s32 @!p0 $0x108  }
0x21: {  	s3 =	sadd.s32 s3, s9;
	s6 =	sadd.s32 @!p0 $0x88, s6;
	s7 =	simm.s32 @p2 $0x1082  }
0x22: {  	[simem:s7], [sflag:s8] =	dma.local @!p0 [hbm:s6], $0xF7A  }
0x23: {  	s9 =	sor.u32 $0xD0000000, s2;
	s6 =	simm.s32 $0x108;
	_ =	swait.ge @!p0 [sflag:s8], $0x0  }
0x24: {  	s3 =	sadd.s32 $0x88, s3;
	s6 =	simm.s32 @!p1 $0x1082;
	[sflag:s4] =	ssyncset.s32 $0xFFFFF086  }
0x25: {  	[simem:s6], [sflag:s4] =	dma.local [hbm:s3], $0xF7A  }
0x26: {  	[smem:$0x3F9F] =	sst s1;
	(tag) =	ssettag s2;
	_ =	strace s9  }
0x27: {  	s1 =	sld [smem:$0x3FAF]  }
0x28: {  	s2 =	sld [smem:$0x3FB0]  }
0x29: {  	s4 =	sld [smem:$0x3FB2]  }
0x2a: {  	p0 =	seq.s32 s5, $0x0;
	s5 =	sld [smem:$0x3FB3]  }
0x2b: {  	s6 =	sld [smem:$0x3FB4]  }
0x2c: {  	s7 =	sld [smem:$0x3FB5]  }
0x2d: {  	s3 =	simm.s32 $0x108;
	s8 =	sld [smem:$0x3FB6]  }
0x2e: {  	s3 =	simm.s32 @!p0 $0x1082;
	s9 =	sld [smem:$0x3FB7]  }
0x2f: {  	lr =	sadd.s32 s0, s3;
	s0 =	sld [smem:$0x3FAE]  }
0x30: {  	s3 =	sld [smem:$0x3FB1]  }
0x31: {  	[smem:$0x3FBA] =	sst s10  }
0x32: {  	s10 =	sld [smem:$0x3FB8];
	_ =	sdelay $0x3  }
0x33: {  	p0 =	seq.s32 s10, $0x1;
	s10 =	sld [smem:$0x3FBA];
	_ =	sdelay $0x3  }
0x34: {  	[smem:$0x3FBA] =	sst s10  }
0x35: {  	s10 =	sld [smem:$0x3FB9];
	_ =	sdelay $0x3  }
0x36: {  	p1 =	seq.s32 s10, $0x1;
	s10 =	sld [smem:$0x3FBA];
	_ =	sdelay $0x3  }
0x37: {  	[smem:$0x3FBA] =	sst s10  }
0x38: {  	s10 =	sld [smem:$0x3FBB]  }
0x39: {  	_ = 	snop;
	(pc) =	sbr.ind lr, $3  }
0x3a: {  	_ = 	snop  }
0x3b: {  	_ = 	snop  }
0x3c: {  	p2 =	seq.s32 s10, $0x1;
	s10 =	sld [smem:$0x3FBA]  }
0x3d: {  	_ =	shalt  }
0x3e: {  	_ =	shalt  }
0x3f: {  	_ =	shalt  }
0x40: {  	_ =	shalt  }
0x41: {  	_ =	shalt  }
0x42: {  	_ =	shalt  }
0x43: {  	_ =	shalt  }
0x44: {  	_ =	shalt  }
0x45: {  	_ =	shalt  }
0x46: {  	_ =	shalt  }
0x47: {  	_ =	shalt  }
0x48: {  	_ =	shalt  }
0x49: {  	_ =	shalt  }
0x4a: {  	_ =	shalt  }
0x4b: {  	_ =	shalt  }
0x4c: {  	_ =	shalt  }
0x4d: {  	_ =	shalt  }
0x4e: {  	_ =	shalt  }
0x4f: {  	_ =	shalt  }
0x50: {  	_ =	shalt  }
0x51: {  	_ =	shalt  }
0x52: {  	_ =	shalt  }
0x53: {  	_ =	shalt  }
0x54: {  	_ =	shalt  }
0x55: {  	_ =	shalt  }
0x56: {  	_ =	shalt  }
0x57: {  	_ =	shalt  }
0x58: {  	_ =	shalt  }
0x59: {  	_ =	shalt  }
0x5a: {  	_ =	shalt  }
0x5b: {  	_ =	shalt  }
0x5c: {  	_ =	shalt  }
0x5d: {  	_ =	shalt  }
0x5e: {  	_ =	shalt  }
0x5f: {  	_ =	shalt  }
0x60: {  	_ =	shalt  }
0x61: {  	_ =	shalt  }
0x62: {  	_ =	shalt  }
0x63: {  	_ =	shalt  }
0x64: {  	_ =	shalt  }
0x65: {  	_ =	shalt  }
0x66: {  	_ =	shalt  }
0x67: {  	_ =	shalt  }
0x68: {  	_ =	shalt  }
0x69: {  	_ =	shalt  }
0x6a: {  	_ =	shalt  }
0x6b: {  	_ =	shalt  }
0x6c: {  	_ =	shalt  }
0x6d: {  	_ =	shalt  }
0x6e: {  	_ =	shalt  }
0x6f: {  	_ =	shalt  }
0x70: {  	_ =	shalt  }
0x71: {  	_ =	shalt  }
0x72: {  	_ =	shalt  }
0x73: {  	_ =	shalt  }
0x74: {  	_ =	shalt  }
0x75: {  	_ =	shalt  }
0x76: {  	_ =	shalt  }
0x77: {  	_ =	shalt  }
0x78: {  	_ =	shalt  }
0x79: {  	_ =	shalt  }
0x7a: {  	_ =	shalt  }
0x7b: {  	_ =	shalt  }
0x7c: {  	_ =	shalt  }
0x7d: {  	_ =	shalt  }
0x7e: {  	_ =	shalt  }
0x7f: {  	_ =	shalt  }
0x80: {  	_ =	shalt  }
0x81: {  	_ =	shalt  }
0x82: {  	_ =	shalt  }
0x83: {  	_ =	shalt  }
0x84: {  	_ =	shalt  }
0x85: {  	_ =	shalt  }
0x86: {  	_ =	shalt  }
0x87: {  	_ =	shalt  }
.Lfunc_end0:
.L_simem_size_0:
called_computation_lowered:
.L_overlay_start_0:
0x88: {  	s2 =	sld [smem:$0x3FD9]  }
0x89: {  	s3 =	sld [smem:$0x3FFE];
	_ =	sdelay $0x1  }
0x8a: {  	s1 =	srdreg.scid  }
0x8b: {  	s0 =	sand.u32 $0x1, s1  }
0x8c: {  	s15 =	sshll.u32 s0, $0xA;
	s2 =	sadd.s32 s3, s2  }
0x8d: {  	s2 =	sadd.s32 s2, s15  }
0x8e: {  	[smem:$0x3FC6] =	sst s2  }
0x8f: {  	_ = 	snop  }
0x90: {  	s2 =	sld [smem:$0x3FD0];
	_ =	sdelay $0x2  }
0x91: {  	s4 =	simm.s32 $0xA;
	s5 =	simm.s32 $0x10;
	s16 =	sld [smem:$0x3FC8]  }
0x92: {  	[smem:s5], [sflag:s4] =	dma.local [hbm:s2], $0x1  }
0x93: {  	_ =	swait.eq [sflag:s4], $0x1  }
0x94: {  	[sflag:s4] =	ssyncset.done $0x0  }
0x95: {  	s17 =	sld [smem:$0x10];
	[sflag:s4] =	ssyncadd.s32 $0xFFFFFFFF  }
0x96: {  	s18 =	sld [smem:$0x11];
	(tm) =	ssettm $0x1  }
0x97: {  	s19 =	sld [smem:$0x3FFB];
	_ =	sdelay $0x3  }
0x98: {  	_ =	strace s19  }
0x99: {  	s5 =	sld [smem:$0x3FFC];
	_ =	sdelay $0x3  }
0x9a: {  	_ =	strace s5  }
0x9b: {  	s5 =	sld [smem:$0x3FFD];
	_ =	sdelay $0x3  }
0x9c: {  	_ =	strace s5  }
0x9d: {  	_ =	strace $0x8FFFFFFF  }
0x9e: {  	s20 =	sld [smem:$0x3FDB];
	_ =	sdelay $0x1  }
0x9f: {  	s6 =	simm.s32 $_scs_section_size  }
0xa0: {  	s7 =	simm.s32 $_size__tile_overlayer_lowered;
	s8 =	simm.s32 $_tile_overlayer_lowered  }
0xa1: {  	s23 =	simm.s32 $0x1BFF;
	s22 =	sshll.u32 s8, $0x1;
	s5 =	sadd.s32 s6, s20  }
0xa2: {  	s9 =	simm.s32 $0x0;
	s21 =	sshll.u32 s7, $0x1;
	s7 =	sadd.s32 s22, s5  }
0xa3: {  	[timem:s9], [sflag:s23] =	dma.local [hbm:s7], s21  }
0xa4: {  	_ =	swait.ge [sflag:s23], s21  }
0xa5: {  	s6 =	ssub.s32 $0x0, s21;
	[sflag:s23] =	ssyncset.done $0x0  }
0xa6: {  	[sflag:s23] =	ssyncadd.s32 s6;
	_ =	sdelay $0x1  }
0xa7: {  	s24 =	simm.s32 $0x1B8B  }
0xa8: {  	_ =	swait.ge [sflag:s24], $0x1  }
0xa9: {  	[sflag:s24] =	ssyncset.done $0x0  }
0xaa: {  	s25 =	simm.s32 $0x1B8E;
	[sflag:s24] =	ssyncadd.s32 $0xFFFFFFFF  }
0xab: {  	s26 =	simm.s32 $execute0_lowered;
	[smem:$0x3FD2] =	sst s25  }
0xac: {  	s6 =	sshll.u32 s26, $0x1;
	_ =	strace $0x80000046;
	[dreg:$0x1] =	wrdreg $0xFFFFFFFF  }
0xad: {  	s28 =	simm.s32 $_size_execute0_lowered;
	s5 =	sadd.s32 s5, s6;
	[dreg:$0x0] =	wrdreg $0x0  }
0xae: {  	s6 =	sshll.u32 s28, $0x1;
	[dreg:$0x2] =	wrdreg s5  }
0xaf: {  	[dreg:$0x3] =	wrdreg s6  }
0xb0: {  	[dreg:$0x4] =	wrdreg $0xC0  }
0xb1: {  	_ =	task [dreg:s9], $0x5FFFF  }
0xb2: {  	[dreg:$0x1] =	wrdreg $0xFFFFFFFF  }
0xb3: {  	[dreg:$0x0] =	wrdreg $0x60  }
0xb4: {  	[dreg:$0x2] =	wrdreg s16  }
0xb5: {  	[dreg:$0x3] =	wrdreg s18  }
0xb6: {  	[dreg:$0x4] =	wrdreg s17  }
0xb7: {  	[dreg:$0x5] =	wrdreg $0x9  }
0xb8: {  	_ =	task.clear_ibuf [dreg:s9], $0x6FFFF;
	_ =	strace $0x90000046  }
0xb9: {  	s29 =	simm.s32 $0x9;
	_ =	strace $0x80000048  }
0xba: {  	_ =	swait.ge [sflag:s29], $0x1  }
0xbb: {  	[sflag:s29] =	ssyncadd.s32 $0xFFFFFFFF  }
0xbc: {  	_ =	strace $0x90000048  }
0xbd: {  	_ =	sfence  }
0xbe: {  	s30 =	sld [smem:$0x0];
	_ =	sdelay $0x2  }
0xbf: {  	s31 =	sshll.u32 s1, $0xD;
	s1 =	sshrl.u32 s1, $0x2  }
0xc0: {  	s3 =	sand.u32 $0x4000, s31;
	s1 =	sadd.s32 s1, s30  }
0xc1: {  	s0 =	sor.u32 s3, s0;
	s1 =	sshll.u32 s1, $0x11  }
0xc2: {  	s0 =	sor.u32 s1, s0  }
0xc3: {  	s0 =	sadd.s32 $0x8F2B, s0  }
0xc4: {  	[sflag:s0] =	ssyncadd.remote.s32 $0x1  }
0xc5: {  	_ =	sfence.sel $0xFFFF  }
0xc6: {  	[dreg:$0x0] =	wrdreg $0xFFFFFFFF;
	(pc) =	sbr.abs _section_cstart, $3  }
0xc7: {  	[dreg:$0x1] =	wrdreg $0xFFFFFFFF  }
0xc8: {  	_ =	task.clear_ibuf [dreg:s9], $0x2FFFF;
	_ =	strace $0x9FFFFFFF  }
0xc9: {  	(tm) =	ssettm $0x7FFFFFFF  }
tec
execute0_lowered:
.L_overlay_start_1:
0x0: {  	(tag) =	ssettag $0x1  }
0x1: {  	s1 =	rddreg [dreg:$0x0]  }
0x2: {  	s2 =	srdreg.scid;
	s4 =	rddreg [dreg:$0x1]  }
0x3: {  	s0 =	stileid.u32;
	s5 =	rddreg [dreg:$0x2]  }
0x4: {  	s3 =	simm.s32 $0x0;
	s19 =	simm.s32 $0x900;
	s20 =	simm.s32 $0x1100  }
0x5: {  	s21 =	simm.s32 $0x1900;
	s23 =	simm.s32 $0x2100;
	s24 =	simm.s32 $0x2900  }
0x6: {  	s25 =	simm.s32 $0x3100;
	s26 =	simm.s32 $0x3900;
	s8 =	simm.s32 $0x4900  }
0x7: {  	s9 =	simm.s32 $0x5100;
	s10 =	simm.s32 $0x5900;
	s11 =	simm.s32 $0x6100  }
0x8: {  	s12 =	simm.s32 $0x6900;
	s13 =	simm.s32 $0x7100;
	[smem:$0x7FF] =	sst s3  }
0x9: {  	s14 =	simm.s32 $0x7900;
	_ =	strace $0x80000047;
	[dreg:$0x6] =	wrdreg s19  }
0xa: {  	s15 =	simm.s32 $0x8100;
	s16 =	simm.s32 $0x8900;
	[dreg:$0x7] =	wrdreg s20  }
0xb: {  	s17 =	simm.s32 $0x9100;
	s28 =	simm.s32 $0xE100;
	[dreg:$0x8] =	wrdreg s21  }
0xc: {  	s29 =	simm.s32 $0xE900;
	s30 =	simm.s32 $0xF100;
	[dreg:$0x9] =	wrdreg s23  }
0xd: {  	s31 =	simm.s32 $0xF900;
	s2 =	sand.u32 $0x1, s2;
	[dreg:$0xa] =	wrdreg s24  }
0xe: {  	s6 =	sshll.u32 s0, $0x9;
	s7 =	sshll.u32 s2, $0x8;
	[dreg:$0xb] =	wrdreg s25  }
0xf: {  	s2 =	ssub.s32 $0x2, s2;
	[dreg:$0xc] =	wrdreg s26;
	s19 =	simm.s32 $0xA100  }
0x10: {  	s20 =	simm.s32 $0xA900;
	s21 =	simm.s32 $0xB100;
	s23 =	simm.s32 $0xC100  }
0x11: {  	s24 =	simm.s32 $0xC900;
	s25 =	simm.s32 $0xD100;
	s6 =	sor.u32 s7, s6  }
0x12: {  	s26 =	simm.s32 $0xD900;
	s22 =	sshrl.u32 s2, $0x1;
	s7 =	sshrl.u32 s6, $0x3  }
0x13: {  	s6 =	sshll.u32 s6, $0x5;
	s2 =	ssub.s32 s2, s22;
	s4 =	sadd.s32 s4, s7  }
0x14: {  	v2 =	vlaneseq.u32;
	s22 =	simm.s32 $0xB900;
	s18 =	sadd.s32 s5, s6;
	[dreg:$0x4] =	wrdreg s4  }
0x15: {  	vm0 =	vmmov $0xffff;
	v1 =	vshrl.u32 v2, $0x3;
	s5 =	simm.s32 $0x2;
	s6 =	simm.s32 $0x100;
	[dreg:$0x5] =	wrdreg s18  }
0x16: {  	v0 =	vand.u32 $0x7, v2;
	v2 =	vor.u32 $0x8, v2;
	v1 =	vmul.u32 $0x8, v1;
	s4 =	smax.u32 s2, $0x1;
	s18 =	simm.s32 $0x9900;
	s2 =	simm.s32 $0x1  }
.LBB2_1:
0x17: {  	s0 =	rddreg [dreg:$0x4]  }
0x18: {  	[tilespmem:s3], [sflag:$0x2] =	stream.linear.gather [hbm4b:s0+s3], $0x100, $0x38;
	[tilespmem:$0x10100] =	vst v63  }
0x19: {  	_ =	swait.ge [sflag:s5], $0x100  }
0x1a: {  	[sflag:s5] =	ssyncset.done $0x0  }
0x1b: {  	[sflag:s5] =	ssyncadd.s32 $0xFFFFFF00  }
0x1c: {  	v3 =	vld [tilespmem:$0x0];
	_ =	sdelay $0x4  }
0x1d: {  	v4 =	vshll.u32 v3, $0x1  }
0x1e: {  	v3 =	vand.u32 $0x7, v3;
	v4 =	vand.u32 $0xFFFFFFF0, v4  }
0x1f: {  	v3 =	vor.u32 v3, v4  }
0x20: {  	v4 =	vperm.xlane v3, v0;
	_ =	sdelay $0x1  }
0x21: {  	v3 =	vperm.xlane v3, v2;
	v4 =	vadd.s32 v1, v4;
	_ =	sdelay $0x1  }
0x22: {  	v3 =	vadd.s32 v1, v3;
	_ =	sdelay $0x2  }
0x23: {  	[tilespmem:s6], [sflag:$0x1] =	stream.indirect_vreg.gather [hbm4b:s1+s3], $0x80, v4, vm0, $0xb8;
	[tilespmem:$0x10100] =	vst v63  }
0x24: {  	s7 =	rddreg [dreg:$0x6]  }
0x25: {  	[tilespmem:s7], [sflag:$0x1] =	stream.indirect_vreg.gather [hbm4b:s1+s3], $0x80, v3, vm0, $0xb8;
	[tilespmem:$0x10100] =	vst v63  }
0x26: {  	v3 =	vld [tilespmem:$0x10];
	_ =	sdelay $0x4  }
0x27: {  	v49 =	vshll.u32 v3, $0x1  }
0x28: {  	v3 =	vand.u32 $0x7, v3;
	v4 =	vand.u32 $0xFFFFFFF0, v49  }
0x29: {  	v3 =	vor.u32 v3, v4  }
0x2a: {  	v4 =	vperm.xlane v3, v0;
	_ =	sdelay $0x1  }
0x2b: {  	v3 =	vperm.xlane v3, v2;
	v4 =	vadd.s32 v1, v4;
	_ =	sdelay $0x1  }
0x2c: {  	v3 =	vadd.s32 v1, v3;
	_ =	sdelay $0x1  }
0x2d: {  	s0 =	rddreg [dreg:$0x7]  }
0x2e: {  	[tilespmem:s0], [sflag:$0x1] =	stream.indirect_vreg.gather [hbm4b:s1+s3], $0x80, v4, vm0, $0xb8;
	[tilespmem:$0x10100] =	vst v63  }
0x2f: {  	s7 =	rddreg [dreg:$0x8]  }
0x30: {  	[tilespmem:s7], [sflag:$0x1] =	stream.indirect_vreg.gather [hbm4b:s1+s3], $0x80, v3, vm0, $0xb8;
	[tilespmem:$0x10100] =	vst v63  }
0x31: {  	v3 =	vld [tilespmem:$0x20];
	_ =	sdelay $0x4  }
0x32: {  	v50 =	vshll.u32 v3, $0x1  }
0x33: {  	v3 =	vand.u32 $0x7, v3;
	v4 =	vand.u32 $0xFFFFFFF0, v50  }
0x34: {  	v3 =	vor.u32 v3, v4  }
0x35: {  	v4 =	vperm.xlane v3, v0;
	_ =	sdelay $0x1  }
0x36: {  	v3 =	vperm.xlane v3, v2;
	v4 =	vadd.s32 v1, v4;
	_ =	sdelay $0x1  }
0x37: {  	v3 =	vadd.s32 v1, v3;
	_ =	sdelay $0x1  }
0x38: {  	s0 =	rddreg [dreg:$0x9]  }
0x39: {  	[tilespmem:s0], [sflag:$0x1] =	stream.indirect_vreg.gather [hbm4b:s1+s3], $0x80, v4, vm0, $0xb8;
	[tilespmem:$0x10100] =	vst v63  }
0x3a: {  	s7 =	rddreg [dreg:$0xa]  }
0x3b: {  	[tilespmem:s7], [sflag:$0x1] =	stream.indirect_vreg.gather [hbm4b:s1+s3], $0x80, v3, vm0, $0xb8;
	[tilespmem:$0x10100] =	vst v63  }
0x3c: {  	v3 =	vld [tilespmem:$0x30];
	_ =	sdelay $0x4  }
0x3d: {  	v51 =	vshll.u32 v3, $0x1  }
0x3e: {  	v3 =	vand.u32 $0x7, v3;
	v4 =	vand.u32 $0xFFFFFFF0, v51  }
0x3f: {  	v3 =	vor.u32 v3, v4  }
0x40: {  	v4 =	vperm.xlane v3, v0;
	_ =	sdelay $0x1  }
0x41: {  	v3 =	vperm.xlane v3, v2;
	v4 =	vadd.s32 v1, v4;
	_ =	sdelay $0x1  }
0x42: {  	v3 =	vadd.s32 v1, v3;
	_ =	sdelay $0x1  }
0x43: {  	s0 =	rddreg [dreg:$0xb]  }
0x44: {  	[tilespmem:s0], [sflag:$0x1] =	stream.indirect_vreg.gather [hbm4b:s1+s3], $0x80, v4, vm0, $0xb8;
	[tilespmem:$0x10100] =	vst v63  }
0x45: {  	s7 =	rddreg [dreg:$0xc]  }
0x46: {  	[tilespmem:s7], [sflag:$0x1] =	stream.indirect_vreg.gather [hbm4b:s1+s3], $0x80, v3, vm0, $0xb8;
	[tilespmem:$0x10100] =	vst v63  }
0x47: {  	v3 =	vld [tilespmem:$0x40];
	_ =	sdelay $0x4  }
0x48: {  	v52 =	vshll.u32 v3, $0x1  }
0x49: {  	v3 =	vand.u32 $0x7, v3;
	v4 =	vand.u32 $0xFFFFFFF0, v52  }
0x4a: {  	v3 =	vor.u32 v3, v4  }
0x4b: {  	v4 =	vperm.xlane v3, v0;
	_ =	sdelay $0x1  }
0x4c: {  	v3 =	vperm.xlane v3, v2;
	v4 =	vadd.s32 v1, v4;
	_ =	sdelay $0x1  }
0x4d: {  	v3 =	vadd.s32 v1, v3;
	_ =	sdelay $0x1  }
0x4e: {  	s7 =	simm.s32 $0x4100  }
0x4f: {  	[tilespmem:s7], [sflag:$0x1] =	stream.indirect_vreg.gather [hbm4b:s1+s3], $0x80, v4, vm0, $0xb8;
	[tilespmem:$0x10100] =	vst v63  }
0x50: {  	_ = 	snop  }
0x51: {  	[tilespmem:s8], [sflag:$0x1] =	stream.indirect_vreg.gather [hbm4b:s1+s3], $0x80, v3, vm0, $0xb8;
	[tilespmem:$0x10100] =	vst v63  }
0x52: {  	v3 =	vld [tilespmem:$0x50];
	_ =	sdelay $0x4  }
0x53: {  	v53 =	vshll.u32 v3, $0x1  }
0x54: {  	v3 =	vand.u32 $0x7, v3;
	v4 =	vand.u32 $0xFFFFFFF0, v53  }
0x55: {  	v3 =	vor.u32 v3, v4  }
0x56: {  	v4 =	vperm.xlane v3, v0;
	_ =	sdelay $0x1  }
0x57: {  	v3 =	vperm.xlane v3, v2;
	v4 =	vadd.s32 v1, v4;
	_ =	sdelay $0x1  }
0x58: {  	v3 =	vadd.s32 v1, v3;
	_ =	sdelay $0x2  }
0x59: {  	[tilespmem:s9], [sflag:$0x1] =	stream.indirect_vreg.gather [hbm4b:s1+s3], $0x80, v4, vm0, $0xb8;
	[tilespmem:$0x10100] =	vst v63  }
0x5a: {  	_ = 	snop  }
0x5b: {  	[tilespmem:s10], [sflag:$0x1] =	stream.indirect_vreg.gather [hbm4b:s1+s3], $0x80, v3, vm0, $0xb8;
	[tilespmem:$0x10100] =	vst v63  }
0x5c: {  	v3 =	vld [tilespmem:$0x60];
	_ =	sdelay $0x4  }
0x5d: {  	v54 =	vshll.u32 v3, $0x1  }
0x5e: {  	v3 =	vand.u32 $0x7, v3;
	v4 =	vand.u32 $0xFFFFFFF0, v54  }
0x5f: {  	v3 =	vor.u32 v3, v4  }
0x60: {  	v4 =	vperm.xlane v3, v0;
	_ =	sdelay $0x1  }
0x61: {  	v3 =	vperm.xlane v3, v2;
	v4 =	vadd.s32 v1, v4;
	_ =	sdelay $0x1  }
0x62: {  	v3 =	vadd.s32 v1, v3;
	_ =	sdelay $0x2  }
0x63: {  	[tilespmem:s11], [sflag:$0x1] =	stream.indirect_vreg.gather [hbm4b:s1+s3], $0x80, v4, vm0, $0xb8;
	[tilespmem:$0x10100] =	vst v63  }
0x64: {  	_ = 	snop  }
0x65: {  	[tilespmem:s12], [sflag:$0x1] =	stream.indirect_vreg.gather [hbm4b:s1+s3], $0x80, v3, vm0, $0xb8;
	[tilespmem:$0x10100] =	vst v63  }
0x66: {  	v3 =	vld [tilespmem:$0x70];
	_ =	sdelay $0x4  }
0x67: {  	v55 =	vshll.u32 v3, $0x1  }
0x68: {  	v3 =	vand.u32 $0x7, v3;
	v4 =	vand.u32 $0xFFFFFFF0, v55  }
0x69: {  	v3 =	vor.u32 v3, v4  }
0x6a: {  	v4 =	vperm.xlane v3, v0;
	_ =	sdelay $0x1  }
0x6b: {  	v3 =	vperm.xlane v3, v2;
	v4 =	vadd.s32 v1, v4;
	_ =	sdelay $0x1  }
0x6c: {  	v3 =	vadd.s32 v1, v3;
	_ =	sdelay $0x2  }
0x6d: {  	[tilespmem:s13], [sflag:$0x1] =	stream.indirect_vreg.gather [hbm4b:s1+s3], $0x80, v4, vm0, $0xb8;
	[tilespmem:$0x10100] =	vst v63  }
0x6e: {  	_ = 	snop  }
0x6f: {  	[tilespmem:s14], [sflag:$0x1] =	stream.indirect_vreg.gather [hbm4b:s1+s3], $0x80, v3, vm0, $0xb8;
	[tilespmem:$0x10100] =	vst v63  }
0x70: {  	v3 =	vld [tilespmem:$0x80];
	_ =	sdelay $0x4  }
0x71: {  	v56 =	vshll.u32 v3, $0x1  }
0x72: {  	v3 =	vand.u32 $0x7, v3;
	v4 =	vand.u32 $0xFFFFFFF0, v56  }
0x73: {  	v3 =	vor.u32 v3, v4  }
0x74: {  	v4 =	vperm.xlane v3, v0;
	_ =	sdelay $0x1  }
0x75: {  	v3 =	vperm.xlane v3, v2;
	v4 =	vadd.s32 v1, v4;
	_ =	sdelay $0x1  }
0x76: {  	v3 =	vadd.s32 v1, v3;
	_ =	sdelay $0x2  }
0x77: {  	[tilespmem:s15], [sflag:$0x1] =	stream.indirect_vreg.gather [hbm4b:s1+s3], $0x80, v4, vm0, $0xb8;
	[tilespmem:$0x10100] =	vst v63  }
0x78: {  	_ = 	snop  }
0x79: {  	[tilespmem:s16], [sflag:$0x1] =	stream.indirect_vreg.gather [hbm4b:s1+s3], $0x80, v3, vm0, $0xb8;
	[tilespmem:$0x10100] =	vst v63  }
0x7a: {  	v3 =	vld [tilespmem:$0x90];
	_ =	sdelay $0x4  }
0x7b: {  	v57 =	vshll.u32 v3, $0x1  }
0x7c: {  	v3 =	vand.u32 $0x7, v3;
	v4 =	vand.u32 $0xFFFFFFF0, v57  }
0x7d: {  	v3 =	vor.u32 v3, v4  }
0x7e: {  	v4 =	vperm.xlane v3, v0;
	_ =	sdelay $0x1  }
0x7f: {  	v3 =	vperm.xlane v3, v2;
	v4 =	vadd.s32 v1, v4;
	_ =	sdelay $0x1  }
0x80: {  	v3 =	vadd.s32 v1, v3;
	_ =	sdelay $0x2  }
0x81: {  	[tilespmem:s17], [sflag:$0x1] =	stream.indirect_vreg.gather [hbm4b:s1+s3], $0x80, v4, vm0, $0xb8;
	[tilespmem:$0x10100] =	vst v63  }
0x82: {  	_ = 	snop  }
0x83: {  	[tilespmem:s18], [sflag:$0x1] =	stream.indirect_vreg.gather [hbm4b:s1+s3], $0x80, v3, vm0, $0xb8;
	[tilespmem:$0x10100] =	vst v63  }
0x84: {  	v3 =	vld [tilespmem:$0xA0];
	_ =	sdelay $0x4  }
0x85: {  	v58 =	vshll.u32 v3, $0x1  }
0x86: {  	v3 =	vand.u32 $0x7, v3;
	v4 =	vand.u32 $0xFFFFFFF0, v58  }
0x87: {  	v3 =	vor.u32 v3, v4  }
0x88: {  	v4 =	vperm.xlane v3, v0;
	_ =	sdelay $0x1  }
0x89: {  	v3 =	vperm.xlane v3, v2;
	v4 =	vadd.s32 v1, v4;
	_ =	sdelay $0x1  }
0x8a: {  	v3 =	vadd.s32 v1, v3;
	_ =	sdelay $0x2  }
0x8b: {  	[tilespmem:s19], [sflag:$0x1] =	stream.indirect_vreg.gather [hbm4b:s1+s3], $0x80, v4, vm0, $0xb8;
	[tilespmem:$0x10100] =	vst v63  }
0x8c: {  	_ = 	snop  }
0x8d: {  	[tilespmem:s20], [sflag:$0x1] =	stream.indirect_vreg.gather [hbm4b:s1+s3], $0x80, v3, vm0, $0xb8;
	[tilespmem:$0x10100] =	vst v63  }
0x8e: {  	v3 =	vld [tilespmem:$0xB0];
	_ =	sdelay $0x4  }
0x8f: {  	v59 =	vshll.u32 v3, $0x1  }
0x90: {  	v3 =	vand.u32 $0x7, v3;
	v4 =	vand.u32 $0xFFFFFFF0, v59  }
0x91: {  	v3 =	vor.u32 v3, v4  }
0x92: {  	v4 =	vperm.xlane v3, v0;
	_ =	sdelay $0x1  }
0x93: {  	v3 =	vperm.xlane v3, v2;
	v4 =	vadd.s32 v1, v4;
	_ =	sdelay $0x1  }
0x94: {  	v3 =	vadd.s32 v1, v3;
	_ =	sdelay $0x2  }
0x95: {  	[tilespmem:s21], [sflag:$0x1] =	stream.indirect_vreg.gather [hbm4b:s1+s3], $0x80, v4, vm0, $0xb8;
	[tilespmem:$0x10100] =	vst v63  }
0x96: {  	_ = 	snop  }
0x97: {  	[tilespmem:s22], [sflag:$0x1] =	stream.indirect_vreg.gather [hbm4b:s1+s3], $0x80, v3, vm0, $0xb8;
	[tilespmem:$0x10100] =	vst v63  }
0x98: {  	v3 =	vld [tilespmem:$0xC0];
	_ =	sdelay $0x4  }
0x99: {  	v60 =	vshll.u32 v3, $0x1  }
0x9a: {  	v3 =	vand.u32 $0x7, v3;
	v4 =	vand.u32 $0xFFFFFFF0, v60  }
0x9b: {  	v3 =	vor.u32 v3, v4  }
0x9c: {  	v4 =	vperm.xlane v3, v0;
	_ =	sdelay $0x1  }
0x9d: {  	v3 =	vperm.xlane v3, v2;
	v4 =	vadd.s32 v1, v4;
	_ =	sdelay $0x1  }
0x9e: {  	v3 =	vadd.s32 v1, v3;
	_ =	sdelay $0x2  }
0x9f: {  	[tilespmem:s23], [sflag:$0x1] =	stream.indirect_vreg.gather [hbm4b:s1+s3], $0x80, v4, vm0, $0xb8;
	[tilespmem:$0x10100] =	vst v63  }
0xa0: {  	_ = 	snop  }
0xa1: {  	[tilespmem:s24], [sflag:$0x1] =	stream.indirect_vreg.gather [hbm4b:s1+s3], $0x80, v3, vm0, $0xb8;
	[tilespmem:$0x10100] =	vst v63  }
0xa2: {  	v3 =	vld [tilespmem:$0xD0];
	_ =	sdelay $0x4  }
0xa3: {  	v61 =	vshll.u32 v3, $0x1  }
0xa4: {  	v3 =	vand.u32 $0x7, v3;
	v4 =	vand.u32 $0xFFFFFFF0, v61  }
0xa5: {  	v3 =	vor.u32 v3, v4  }
0xa6: {  	v4 =	vperm.xlane v3, v0;
	_ =	sdelay $0x1  }
0xa7: {  	v3 =	vperm.xlane v3, v2;
	v4 =	vadd.s32 v1, v4;
	_ =	sdelay $0x1  }
0xa8: {  	v3 =	vadd.s32 v1, v3;
	_ =	sdelay $0x2  }
0xa9: {  	[tilespmem:s25], [sflag:$0x1] =	stream.indirect_vreg.gather [hbm4b:s1+s3], $0x80, v4, vm0, $0xb8;
	[tilespmem:$0x10100] =	vst v63  }
0xaa: {  	_ = 	snop  }
0xab: {  	[tilespmem:s26], [sflag:$0x1] =	stream.indirect_vreg.gather [hbm4b:s1+s3], $0x80, v3, vm0, $0xb8;
	[tilespmem:$0x10100] =	vst v63  }
0xac: {  	v3 =	vld [tilespmem:$0xE0];
	_ =	sdelay $0x4  }
0xad: {  	v62 =	vshll.u32 v3, $0x1  }
0xae: {  	v3 =	vand.u32 $0x7, v3;
	v4 =	vand.u32 $0xFFFFFFF0, v62  }
0xaf: {  	v3 =	vor.u32 v3, v4  }
0xb0: {  	v4 =	vperm.xlane v3, v0;
	_ =	sdelay $0x1  }
0xb1: {  	v3 =	vperm.xlane v3, v2;
	v4 =	vadd.s32 v1, v4;
	_ =	sdelay $0x1  }
0xb2: {  	v3 =	vadd.s32 v1, v3;
	_ =	sdelay $0x2  }
0xb3: {  	[tilespmem:s28], [sflag:$0x1] =	stream.indirect_vreg.gather [hbm4b:s1+s3], $0x80, v4, vm0, $0xb8;
	[tilespmem:$0x10100] =	vst v63  }
0xb4: {  	_ = 	snop  }
0xb5: {  	[tilespmem:s29], [sflag:$0x1] =	stream.indirect_vreg.gather [hbm4b:s1+s3], $0x80, v3, vm0, $0xb8;
	[tilespmem:$0x10100] =	vst v63  }
0xb6: {  	v3 =	vld [tilespmem:$0xF0];
	_ =	sdelay $0x4  }
0xb7: {  	v63 =	vshll.u32 v3, $0x1  }
0xb8: {  	v3 =	vand.u32 $0x7, v3;
	v4 =	vand.u32 $0xFFFFFFF0, v63  }
0xb9: {  	v3 =	vor.u32 v3, v4  }
0xba: {  	v4 =	vperm.xlane v3, v0;
	_ =	sdelay $0x1  }
0xbb: {  	v3 =	vperm.xlane v3, v2;
	v4 =	vadd.s32 v1, v4;
	_ =	sdelay $0x1  }
0xbc: {  	v3 =	vadd.s32 v1, v3;
	_ =	sdelay $0x2  }
0xbd: {  	[tilespmem:s30], [sflag:$0x1] =	stream.indirect_vreg.gather [hbm4b:s1+s3], $0x80, v4, vm0, $0xb8;
	[tilespmem:$0x10100] =	vst v63  }
0xbe: {  	_ = 	snop  }
0xbf: {  	[tilespmem:s31], [sflag:$0x1] =	stream.indirect_vreg.gather [hbm4b:s1+s3], $0x80, v3, vm0, $0xb8;
	[tilespmem:$0x10100] =	vst v63  }
0xc0: {  	_ =	swait.ge [sflag:s2], $0x10000  }
0xc1: {  	p0 =	sne.s32 s4, $0x1;
	[sflag:s2] =	ssyncset.done $0x0  }
.Ltmp0:
0xc2: {  	s7 =	rddreg [dreg:$0x5];
	[sflag:s2] =	ssyncadd.s32 $0xFFFF0000;
	(pc) =	sbr.rel @p0 .LBB2_1-.Ltmp0, $4  }
0xc3: {  	[hbm4b:s7+s3] =	stream.linear.scatter [tilespmem:s6], [sflag:$0x2], $0x10000, $0x38;
	[tilespmem:$0x10100] =	vst v63  }
0xc4: {  	_ =	swait.ge [sflag:s5], $0x10000  }
0xc5: {  	[sflag:s5] =	ssyncset.done $0x0  }
0xc6: {  	s4 =	sadd.s32 $0xFFFFFFFF, s4;
	[sflag:s5] =	ssyncadd.s32 $0xFFFF0000  }
0xc7: {  	_ =	sfence.sel $0x180000  }
0xc8: {  	[bflag:$0x0] =	sbarrier.arrive $0xFFFF  }
0xc9: {  	_ =	strace $0x90000047  }
0xca: {  	s0 =	stileid.u32;
	[bflag:$0x2] =	sbarrier.arrive $0xFFFF  }
0xcb: {  	p0 =	sne.s32 s0, $0x0;
	s0 =	rddreg [dreg:$0x3]  }
0xcc: {  	s0 =	sadd.s32 @!p0 $0x100000, s0  }
0xcd: {  	[sflag:s0] =	ssyncadd.tile.s32 @!p0 $0x1;
	_ =	shalt  }
.Lfunc_end2:
_tile_overlayer_lowered:
.L_overlay_start_2:
0xce: {  	(tag) =	ssettag $0x2  }
0xcf: {  	s0 =	rddreg [dreg:$0x0];
	s2 =	stileid.u32  }
0xd0: {  	s1 =	rddreg [dreg:$0x1];
	p0 =	sne.s32 s2, $0x0  }
0xd1: {  	s3 =	rddreg [dreg:$0x2];
	[bflag:$0x3] =	sbarrier.arrive $0xFFFF;
	s2 =	simm.s32 @!p0 $0x1C02  }
0xd2: {  	[timem:s3], [sflag:s2] =	dma.local @!p0 [hbm:s0], s1  }
0xd3: {  	s0 =	simm.s32 @!p0 $0x2  }
0xd4: {  	_ =	swait.ge @!p0 [sflag:s0], s1  }
0xd5: {  	s1 =	ssub.s32 @!p0 $0x0, s1;
	[sflag:s0] =	ssyncset.done @!p0 $0x0  }
0xd6: {  	[sflag:s0] =	ssyncadd.s32 @!p0 s1  }
0xd7: {  	[bflag:$0x3] =	sbarrier.arrive $0xFFFF  }
0xd8: {  	_ =	shalt  }

</sc_bundles>
